<compile_context>
chip_gen: v7x
topology: tpu7x:2x2x1
jax: 0.10.2.dev20260603
libtpu: 0.0.44.dev20260713+nightly
codegen_flags: <defaults>
</compile_context>

<pallas_src>
import functools

import jax
import jax.numpy as jnp
from jax import lax
from jax.experimental import pallas as pl
from jax.experimental.pallas import tpu as pltpu
from jax.experimental.pallas import tpu_sc as plsc

N, D, Y, S = 320000, 128, 16, 10000
NC, NS = 2, 16
HN0 = 140800
HN1 = N - HN0
RTA0 = HN0 // NS
RTA1 = HN1 // NS
RTY = N // NS
C = 80
NCHA0 = RTA0 // C
NCHA1 = RTA1 // C
NCHY = RTY // C
SP = 10240
SEG_T = SP // NS

BR = 2000
SB = 2048


def _gate_body(x_ref, w1_ref, b1_ref, a_ref):
    xb = x_ref[...]
    t = jnp.dot(xb, w1_ref[...], preferred_element_type=jnp.float32)
    a_ref[...] = jax.nn.sigmoid(t + b1_ref[0, 0]) * xb


def _gate(x, w1, b1):
    return pl.pallas_call(
        _gate_body,
        grid=(N // BR,),
        in_specs=[
            pl.BlockSpec((BR, D), lambda i: (i, 0)),
            pl.BlockSpec((D, 1), lambda i: (0, 0)),
            pl.BlockSpec((1, 1), lambda i: (0, 0)),
        ],
        out_specs=pl.BlockSpec((BR, D), lambda i: (i, 0)),
        out_shape=jax.ShapeDtypeStruct((N, D), jnp.float32),
    )(x, w1, b1)


def _sc_scatter_body(a_hbm, y_hbm, lab_hbm, zres_hbm, zy_hbm, ones_hbm,
                     res_hbm, ysc_hbm,
                     lab_c, a_v, y_v, res_sh, ysc_sh):
    c = lax.axis_index("c")
    s = lax.axis_index("s")
    r0 = s * SEG_T

    pltpu.sync_copy(zres_hbm.at[pl.ds(r0, SEG_T)], res_sh.at[pl.ds(r0, SEG_T)])
    pltpu.sync_copy(zy_hbm.at[pl.ds(r0, SEG_T)], ysc_sh.at[pl.ds(r0, SEG_T)])

    @pl.when(c == 1)
    def _ones():
        pltpu.sync_copy(ones_hbm, y_v)

    plsc.subcore_barrier()

    start = c * HN0
    rta = jnp.where(c == 0, RTA0, RTA1)
    nch = jnp.where(c == 0, NCHA0, NCHA1)

    @pl.loop(0, NCHA1)
    def chunk_a(j):
        @pl.when(j < nch)
        def _do():
            rbase = start + s * rta + j * C
            pltpu.sync_copy(lab_hbm.at[pl.ds(rbase, C)], lab_c)
            pltpu.sync_copy(a_hbm.at[pl.ds(rbase, C)], a_v)
            pltpu.sync_copy(a_v, res_sh.at[lab_c], add=True)

    @pl.loop(0, NCHY)
    def chunk_y(j):
        rbase = s * RTY + j * C
        pltpu.sync_copy(lab_hbm.at[pl.ds(rbase, C)], lab_c)

        @pl.when(c == 0)
        def _ld_y():
            pltpu.sync_copy(y_hbm.at[pl.ds(rbase, C)], y_v)

        pltpu.sync_copy(y_v, ysc_sh.at[lab_c], add=True)

    plsc.subcore_barrier()

    pltpu.sync_copy(res_sh.at[pl.ds(r0, SEG_T)],
                    res_hbm.at[pl.ds(c * SP + r0, SEG_T)])
    pltpu.sync_copy(ysc_sh.at[pl.ds(r0, SEG_T)],
                    ysc_hbm.at[pl.ds(c * SP + r0, SEG_T)])


@functools.cache
def _get_sc_scatter():
    mesh = plsc.VectorSubcoreMesh(core_axis_name="c", subcore_axis_name="s")
    return functools.partial(
        pl.kernel,
        out_type=(
            jax.ShapeDtypeStruct((NC * SP, D), jnp.float32),
            jax.ShapeDtypeStruct((NC * SP, Y), jnp.float32),
        ),
        mesh=mesh,
        compiler_params=pltpu.CompilerParams(use_tc_tiling_on_sc=False),
        scratch_types=[
            pltpu.VMEM((C,), jnp.int32),
            pltpu.VMEM((C, D), jnp.float32),
            pltpu.VMEM((C, Y), jnp.float32),
            pltpu.VMEM_SHARED((SP, D), jnp.float32),
            pltpu.VMEM_SHARED((SP, Y), jnp.float32),
        ],
    )(_sc_scatter_body)


def _head_body(res2_ref, ysc2_ref, w2_ref, b2_ref, out_ref, acc_ref):
    i = pl.program_id(0)

    @pl.when(i == 0)
    def _init():
        acc_ref[0] = 0.0
        acc_ref[1] = 0.0

    res = res2_ref[0] + res2_ref[1]
    ysum = ysc2_ref[0]
    cnt = ysc2_ref[1][:, 0:1]
    mask = (cnt > 0.0).astype(jnp.float32)
    cf = jnp.where(cnt > 0.0, cnt, 1.0)
    z = jnp.dot(res / cf, w2_ref[...], preferred_element_type=jnp.float32)
    pred = jax.nn.softmax(z + b2_ref[...], axis=1)
    logp = jax.nn.log_softmax(pred, axis=1)
    per = jnp.sum((ysum / cf) * logp, axis=1, keepdims=True)
    acc_ref[0] += jnp.sum(per * mask)
    acc_ref[1] += jnp.sum(mask)

    @pl.when(i == pl.num_programs(0) - 1)
    def _fin():
        out_ref[0, 0] = -acc_ref[0] / acc_ref[1]


def _head(res2, ysc2, w2, b2):
    return pl.pallas_call(
        _head_body,
        grid=(SP // SB,),
        in_specs=[
            pl.BlockSpec((NC, SB, D), lambda i: (0, i, 0)),
            pl.BlockSpec((NC, SB, Y), lambda i: (0, i, 0)),
            pl.BlockSpec((D, Y), lambda i: (0, 0)),
            pl.BlockSpec((1, Y), lambda i: (0, 0)),
        ],
        out_specs=pl.BlockSpec(memory_space=pltpu.SMEM),
        out_shape=jax.ShapeDtypeStruct((1, 1), jnp.float32),
        scratch_shapes=[pltpu.SMEM((2,), jnp.float32)],
    )(res2, ysc2, w2, b2)


def kernel(x, labels, y, w1, b1, w2, b2):
    x = x.astype(jnp.float32)
    a = _gate(x, w1.astype(jnp.float32), b1.reshape(1, 1).astype(jnp.float32))
    lab = labels.astype(jnp.int32)
    yf = y.astype(jnp.float32)
    ones_c = jnp.ones((C, Y), jnp.float32)
    zres = jnp.zeros((SP, D), jnp.float32)
    zy = jnp.zeros((SP, Y), jnp.float32)
    res2, ysc2 = _get_sc_scatter()(a, yf, lab, zres, zy, ones_c)
    res2 = res2.reshape(NC, SP, D)
    ysc2 = ysc2.reshape(NC, SP, Y)
    out = _head(res2, ysc2, w2.astype(jnp.float32),
                b2.reshape(1, Y).astype(jnp.float32))
    return out[0, 0]

# --- scband reference (transcript-rebuilt; emitter-appended) ---
"""Pipeline reference for scband-weighted-linear-probing-54820962566693 (READ-ONLY COPY).

The authoritative reference and input builder live on the scoring server;
editing this copy changes nothing except your own understanding.
"""

import jax, jax.numpy as jnp
import numpy as np


def setup_inputs(seed: int = 0) -> dict:
    key = jax.random.key(seed)
    ks = jax.random.split(key, 8)
    N, D, Y, S = 320000, 128, 16, 10000
    x = jax.random.normal(ks[0], (N, D), dtype=jnp.float32)
    labels = jnp.sort(jax.random.randint(ks[1], (N,), 0, S, dtype=jnp.int64))
    y = jax.random.uniform(ks[2], (N, Y), dtype=jnp.float32)
    # nn.Linear(input_dim, 1) params (stored as [D,1] / [1] for jnp matmul)
    bound1 = 1.0 / np.sqrt(D)
    w1 = jax.random.uniform(ks[3], (D, 1), minval=-bound1, maxval=bound1, dtype=jnp.float32)
    b1 = jax.random.uniform(ks[4], (1,), minval=-bound1, maxval=bound1, dtype=jnp.float32)
    # nn.Linear(input_dim, y_dim)
    w2 = jax.random.uniform(ks[5], (D, Y), minval=-bound1, maxval=bound1, dtype=jnp.float32)
    b2 = jax.random.uniform(ks[6], (Y,), minval=-bound1, maxval=bound1, dtype=jnp.float32)
    return {"x": x, "labels": labels, "y": y, "w1": w1, "b1": b1, "w2": w2, "b2": b2}


def reference(x, labels, y, w1, b1, w2, b2):
    # use_norm == 'none' -> no normalization
    a = jax.nn.sigmoid(x @ w1 + b1) * x
    # labels lie in [0, S) with S fixed by setup_inputs
    S = 10000
    counts = jnp.bincount(labels, length=S)
    mask = counts > 0
    cf = counts.astype(jnp.float32)[:, None]
    cf_safe = jnp.where(cf > 0, cf, 1.0)
    # scatter_add over segments (segment mean of gated features)
    res = jnp.zeros((S, x.shape[1]), dtype=jnp.float32).at[labels].add(a)
    res = res / cf_safe
    prediction = jax.nn.softmax(res @ w2 + b2, axis=1)
    # segment mean of y
    y_ = jnp.zeros((S, y.shape[1]), dtype=jnp.float32).at[labels].add(y)
    y_ = y_ / cf_safe
    # nn.CrossEntropyLoss with probability targets: mean over segments of -sum(target * log_softmax(input))
    # Note: the original feeds softmax output into CrossEntropyLoss (double softmax) - kept faithful.
    logp = jax.nn.log_softmax(prediction, axis=1)
    per_segment = jnp.sum(y_ * logp, axis=1)
    m = mask.astype(jnp.float32)
    loss = -jnp.sum(per_segment * m) / jnp.sum(m)
    return loss

if __name__ == "__main__":
    import jax
    _d = setup_inputs()
    print(jax.jit(kernel)(*tuple(_d.values())))

</pallas_src>

<mosaic_0001>
#map = affine_map<(d0, d1) -> (0, 0)>
#map1 = affine_map<(d0, d1) -> (0)>
module attributes {stable_mosaic.version = 14 : i64} {
  func.func @_sc_scatter_body(%arg0: i32, %arg1: i32, %arg2: memref<320000x128xf32, #tpu.memory_space<hbm>>, %arg3: memref<320000x16xf32, #tpu.memory_space<hbm>>, %arg4: memref<320000xi32, #tpu.memory_space<hbm>>, %arg5: memref<10240x128xf32, #tpu.memory_space<hbm>>, %arg6: memref<10240x16xf32, #tpu.memory_space<hbm>>, %arg7: memref<80x16xf32, #tpu.memory_space<hbm>>, %arg8: memref<20480x128xf32, #tpu.memory_space<hbm>>, %arg9: memref<20480x16xf32, #tpu.memory_space<hbm>>, %arg10: memref<80xi32, #tpu.memory_space<vmem>>, %arg11: memref<80x128xf32, #tpu.memory_space<vmem>>, %arg12: memref<80x16xf32, #tpu.memory_space<vmem>>, %arg13: memref<10240x128xf32, #tpu.memory_space<vmem_shared>>, %arg14: memref<10240x16xf32, #tpu.memory_space<vmem_shared>>) attributes {dimension_semantics = [#tpu.dimension_semantics<core_parallel>, #tpu.dimension_semantics<subcore_parallel>], iteration_bounds = array<i64: 2, 16>, scalar_prefetch = 0 : i64, scratch_operands = 5 : i64, tpu.core_type = #tpu.core_type<sc_vector_subcore>, window_params = [{transform_indices = #map}, {transform_indices = #map}, {transform_indices = #map1}, {transform_indices = #map}, {transform_indices = #map}, {transform_indices = #map}, {transform_indices = #map}, {transform_indices = #map}]} {
    %mul3A = arith.constant 640 : i32
    %mul3A_0 = arith.muli %arg1, %mul3A : i32
    "tpu.region"() ({
      %run_scoped3A = tpu.sem_alloc : memref<!tpu.dma_semaphore, #tpu.memory_space<semaphore_mem>>
      %dma_start3A = arith.constant 0 : i32
      %dma_start3A_28 = tpu.memref_slice %arg13[%mul3A_0, %dma_start3A] : memref<10240x128xf32, #tpu.memory_space<vmem_shared>> -> memref<640x128xf32, #tpu.memory_space<vmem_shared>>
      %dma_start3A_29 = arith.constant 0 : i32
      %dma_start3A_30 = tpu.memref_slice %arg5[%mul3A_0, %dma_start3A_29] : memref<10240x128xf32, #tpu.memory_space<hbm>> -> memref<640x128xf32, #tpu.memory_space<hbm>>
      tpu.enqueue_dma source(%dma_start3A_30 : memref<640x128xf32, #tpu.memory_space<hbm>>) target(%dma_start3A_28 : memref<640x128xf32, #tpu.memory_space<vmem_shared>>) target_semaphore(%run_scoped3A : memref<!tpu.dma_semaphore, #tpu.memory_space<semaphore_mem>>)
      %dma_wait3A = arith.constant 0 : i32
      %dma_wait3A_31 = tpu.memref_slice %arg13[%mul3A_0, %dma_wait3A] : memref<10240x128xf32, #tpu.memory_space<vmem_shared>> -> memref<640x128xf32, #tpu.memory_space<vmem_shared>>
      %dma_wait3A_32 = arith.constant 0 : i32
      %dma_wait3A_33 = tpu.memref_slice %arg5[%mul3A_0, %dma_wait3A_32] : memref<10240x128xf32, #tpu.memory_space<hbm>> -> memref<640x128xf32, #tpu.memory_space<hbm>>
      tpu.wait_dma2 semaphore(%run_scoped3A : memref<!tpu.dma_semaphore, #tpu.memory_space<semaphore_mem>>) src(%dma_wait3A_33 : memref<640x128xf32, #tpu.memory_space<hbm>>) dst(%dma_wait3A_31 : memref<640x128xf32, #tpu.memory_space<vmem_shared>>)
      tpu.yield
    }) : () -> ()
    "tpu.region"() ({
      %run_scoped3A = tpu.sem_alloc : memref<!tpu.dma_semaphore, #tpu.memory_space<semaphore_mem>>
      %dma_start3A = arith.constant 0 : i32
      %dma_start3A_28 = tpu.memref_slice %arg14[%mul3A_0, %dma_start3A] : memref<10240x16xf32, #tpu.memory_space<vmem_shared>> -> memref<640x16xf32, #tpu.memory_space<vmem_shared>>
      %dma_start3A_29 = arith.constant 0 : i32
      %dma_start3A_30 = tpu.memref_slice %arg6[%mul3A_0, %dma_start3A_29] : memref<10240x16xf32, #tpu.memory_space<hbm>> -> memref<640x16xf32, #tpu.memory_space<hbm>>
      tpu.enqueue_dma source(%dma_start3A_30 : memref<640x16xf32, #tpu.memory_space<hbm>>) target(%dma_start3A_28 : memref<640x16xf32, #tpu.memory_space<vmem_shared>>) target_semaphore(%run_scoped3A : memref<!tpu.dma_semaphore, #tpu.memory_space<semaphore_mem>>)
      %dma_wait3A = arith.constant 0 : i32
      %dma_wait3A_31 = tpu.memref_slice %arg14[%mul3A_0, %dma_wait3A] : memref<10240x16xf32, #tpu.memory_space<vmem_shared>> -> memref<640x16xf32, #tpu.memory_space<vmem_shared>>
      %dma_wait3A_32 = arith.constant 0 : i32
      %dma_wait3A_33 = tpu.memref_slice %arg6[%mul3A_0, %dma_wait3A_32] : memref<10240x16xf32, #tpu.memory_space<hbm>> -> memref<640x16xf32, #tpu.memory_space<hbm>>
      tpu.wait_dma2 semaphore(%run_scoped3A : memref<!tpu.dma_semaphore, #tpu.memory_space<semaphore_mem>>) src(%dma_wait3A_33 : memref<640x16xf32, #tpu.memory_space<hbm>>) dst(%dma_wait3A_31 : memref<640x16xf32, #tpu.memory_space<vmem_shared>>)
      tpu.yield
    }) : () -> ()
    %eq3A = arith.constant 1 : i32
    %eq3A_1 = arith.cmpi eq, %arg0, %eq3A : i32
    %convert_element_type3A = arith.extui %eq3A_1 : i1 to i32
    %cond3A = arith.constant 0 : i32
    %cond3A_2 = arith.cmpi ne, %convert_element_type3A, %cond3A : i32
    scf.if %cond3A_2 {
      "tpu.region"() ({
        %run_scoped3A = tpu.sem_alloc : memref<!tpu.dma_semaphore, #tpu.memory_space<semaphore_mem>>
        tpu.enqueue_dma source(%arg7 : memref<80x16xf32, #tpu.memory_space<hbm>>) target(%arg12 : memref<80x16xf32, #tpu.memory_space<vmem>>) target_semaphore(%run_scoped3A : memref<!tpu.dma_semaphore, #tpu.memory_space<semaphore_mem>>)
        tpu.wait_dma2 semaphore(%run_scoped3A : memref<!tpu.dma_semaphore, #tpu.memory_space<semaphore_mem>>) src(%arg7 : memref<80x16xf32, #tpu.memory_space<hbm>>) dst(%arg12 : memref<80x16xf32, #tpu.memory_space<vmem>>)
        tpu.yield
      }) : () -> ()
    } else {
    }
    %barrier3A = arith.constant 0 : index
    tpu.barrier barrier_id(%barrier3A)
    %mul3A_3 = arith.constant 140800 : i32
    %mul3A_4 = arith.muli %arg0, %mul3A_3 : i32
    %eq3A_5 = arith.constant 0 : i32
    %eq3A_6 = arith.cmpi eq, %arg0, %eq3A_5 : i32
    %jit3A = arith.constant 8800 : i32
    %jit3A_7 = arith.constant 11200 : i32
    %select_n3A = arith.select %eq3A_6, %jit3A, %jit3A_7 : i32
    %eq3A_8 = arith.constant 0 : i32
    %eq3A_9 = arith.cmpi eq, %arg0, %eq3A_8 : i32
    %jit3A_10 = arith.constant 110 : i32
    %jit3A_11 = arith.constant 140 : i32
    %select_n3A_12 = arith.select %eq3A_9, %jit3A_10, %jit3A_11 : i32
    %scan3A = arith.constant 0 : i32
    %scan3A_13 = arith.constant 140 : i32
    %scan3A_14 = arith.addi %scan3A, %scan3A_13 : i32
    %scan3A_15 = arith.constant 1 : i32
    scf.for %scan3A_28 = %scan3A to %scan3A_14 step %scan3A_15  : i32 {
      %mul3A_29 = arith.constant 1 : i32
      %mul3A_30 = arith.muli %scan3A_28, %mul3A_29 : i32
      %add3A_31 = arith.constant 0 : i32
      %add3A_32 = arith.addi %add3A_31, %mul3A_30 : i32
      %lt3A = arith.cmpi slt, %add3A_32, %select_n3A_12 : i32
      %convert_element_type3A_33 = arith.extui %lt3A : i1 to i32
      %cond3A_34 = arith.constant 0 : i32
      %cond3A_35 = arith.cmpi ne, %convert_element_type3A_33, %cond3A_34 : i32
      scf.if %cond3A_35 {
        %mul3A_36 = arith.muli %arg1, %select_n3A : i32
        %add3A_37 = arith.addi %mul3A_4, %mul3A_36 : i32
        %mul3A_38 = arith.constant 80 : i32
        %mul3A_39 = arith.muli %add3A_32, %mul3A_38 : i32
        %add3A_40 = arith.addi %add3A_37, %mul3A_39 : i32
        "tpu.region"() ({
          %run_scoped3A = tpu.sem_alloc : memref<!tpu.dma_semaphore, #tpu.memory_space<semaphore_mem>>
          %dma_start3A = tpu.memref_slice %arg4[%add3A_40] : memref<320000xi32, #tpu.memory_space<hbm>> -> memref<80xi32, #tpu.memory_space<hbm>>
          %dma_start3A_41 = tpu.memref_slice %arg4[%add3A_40] : memref<320000xi32, #tpu.memory_space<hbm>> -> memref<80xi32, #tpu.memory_space<hbm>>
          tpu.enqueue_dma source(%dma_start3A_41 : memref<80xi32, #tpu.memory_space<hbm>>) target(%arg10 : memref<80xi32, #tpu.memory_space<vmem>>) target_semaphore(%run_scoped3A : memref<!tpu.dma_semaphore, #tpu.memory_space<semaphore_mem>>)
          %dma_wait3A = tpu.memref_slice %arg4[%add3A_40] : memref<320000xi32, #tpu.memory_space<hbm>> -> memref<80xi32, #tpu.memory_space<hbm>>
          %dma_wait3A_42 = tpu.memref_slice %arg4[%add3A_40] : memref<320000xi32, #tpu.memory_space<hbm>> -> memref<80xi32, #tpu.memory_space<hbm>>
          tpu.wait_dma2 semaphore(%run_scoped3A : memref<!tpu.dma_semaphore, #tpu.memory_space<semaphore_mem>>) src(%dma_wait3A_42 : memref<80xi32, #tpu.memory_space<hbm>>) dst(%arg10 : memref<80xi32, #tpu.memory_space<vmem>>)
          tpu.yield
        }) : () -> ()
        "tpu.region"() ({
          %run_scoped3A = tpu.sem_alloc : memref<!tpu.dma_semaphore, #tpu.memory_space<semaphore_mem>>
          %dma_start3A = arith.constant 0 : i32
          %dma_start3A_41 = tpu.memref_slice %arg2[%add3A_40, %dma_start3A] : memref<320000x128xf32, #tpu.memory_space<hbm>> -> memref<80x128xf32, #tpu.memory_space<hbm>>
          %dma_start3A_42 = arith.constant 0 : i32
          %dma_start3A_43 = tpu.memref_slice %arg2[%add3A_40, %dma_start3A_42] : memref<320000x128xf32, #tpu.memory_space<hbm>> -> memref<80x128xf32, #tpu.memory_space<hbm>>
          tpu.enqueue_dma source(%dma_start3A_43 : memref<80x128xf32, #tpu.memory_space<hbm>>) target(%arg11 : memref<80x128xf32, #tpu.memory_space<vmem>>) target_semaphore(%run_scoped3A : memref<!tpu.dma_semaphore, #tpu.memory_space<semaphore_mem>>)
          %dma_wait3A = arith.constant 0 : i32
          %dma_wait3A_44 = tpu.memref_slice %arg2[%add3A_40, %dma_wait3A] : memref<320000x128xf32, #tpu.memory_space<hbm>> -> memref<80x128xf32, #tpu.memory_space<hbm>>
          %dma_wait3A_45 = arith.constant 0 : i32
          %dma_wait3A_46 = tpu.memref_slice %arg2[%add3A_40, %dma_wait3A_45] : memref<320000x128xf32, #tpu.memory_space<hbm>> -> memref<80x128xf32, #tpu.memory_space<hbm>>
          tpu.wait_dma2 semaphore(%run_scoped3A : memref<!tpu.dma_semaphore, #tpu.memory_space<semaphore_mem>>) src(%dma_wait3A_46 : memref<80x128xf32, #tpu.memory_space<hbm>>) dst(%arg11 : memref<80x128xf32, #tpu.memory_space<vmem>>)
          tpu.yield
        }) : () -> ()
        "tpu.region"() ({
          %run_scoped3A = tpu.sem_alloc : memref<!tpu.dma_semaphore, #tpu.memory_space<semaphore_mem>>
          %dma_start3A = arith.constant 0 : i32
          %dma_start3A_41 = arith.constant 0 : i32
          %dma_start3A_42 = tpu.memref_slice %arg13[%dma_start3A, %dma_start3A_41] : memref<10240x128xf32, #tpu.memory_space<vmem_shared>> -> memref<10240x128xf32, #tpu.memory_space<vmem_shared>>
          tpu.enqueue_indirect_dma source(%arg11 : memref<80x128xf32, #tpu.memory_space<vmem>>) target(%dma_start3A_42 : memref<10240x128xf32, #tpu.memory_space<vmem_shared>>) offsets(%arg10 : memref<80xi32, #tpu.memory_space<vmem>>) semaphore(%run_scoped3A : memref<!tpu.dma_semaphore, #tpu.memory_space<semaphore_mem>>) {add = true}
          %dma_wait3A = arith.constant 0 : i32
          %dma_wait3A_43 = arith.constant 0 : i32
          %dma_wait3A_44 = tpu.memref_slice %arg13[%dma_wait3A, %dma_wait3A_43] : memref<10240x128xf32, #tpu.memory_space<vmem_shared>> -> memref<10240x128xf32, #tpu.memory_space<vmem_shared>>
          tpu.wait_indirect_dma semaphore(%run_scoped3A : memref<!tpu.dma_semaphore, #tpu.memory_space<semaphore_mem>>) src(%arg11 : memref<80x128xf32, #tpu.memory_space<vmem>>) dst(%dma_wait3A_44 : memref<10240x128xf32, #tpu.memory_space<vmem_shared>>)
          tpu.yield
        }) : () -> ()
      } else {
      }
    }
    %scan3A_16 = arith.constant 140 : i32
    %scan3A_17 = arith.constant 0 : i32
    %scan3A_18 = arith.constant 250 : i32
    %scan3A_19 = arith.addi %scan3A_17, %scan3A_18 : i32
    %scan3A_20 = arith.constant 1 : i32
    scf.for %scan3A_28 = %scan3A_17 to %scan3A_19 step %scan3A_20  : i32 {
      %mul3A_29 = arith.constant 1 : i32
      %mul3A_30 = arith.muli %scan3A_28, %mul3A_29 : i32
      %add3A_31 = arith.constant 0 : i32
      %add3A_32 = arith.addi %add3A_31, %mul3A_30 : i32
      %mul3A_33 = arith.constant 20000 : i32
      %mul3A_34 = arith.muli %arg1, %mul3A_33 : i32
      %mul3A_35 = arith.constant 80 : i32
      %mul3A_36 = arith.muli %add3A_32, %mul3A_35 : i32
      %add3A_37 = arith.addi %mul3A_34, %mul3A_36 : i32
      "tpu.region"() ({
        %run_scoped3A = tpu.sem_alloc : memref<!tpu.dma_semaphore, #tpu.memory_space<semaphore_mem>>
        %dma_start3A = tpu.memref_slice %arg4[%add3A_37] : memref<320000xi32, #tpu.memory_space<hbm>> -> memref<80xi32, #tpu.memory_space<hbm>>
        %dma_start3A_43 = tpu.memref_slice %arg4[%add3A_37] : memref<320000xi32, #tpu.memory_space<hbm>> -> memref<80xi32, #tpu.memory_space<hbm>>
        tpu.enqueue_dma source(%dma_start3A_43 : memref<80xi32, #tpu.memory_space<hbm>>) target(%arg10 : memref<80xi32, #tpu.memory_space<vmem>>) target_semaphore(%run_scoped3A : memref<!tpu.dma_semaphore, #tpu.memory_space<semaphore_mem>>)
        %dma_wait3A = tpu.memref_slice %arg4[%add3A_37] : memref<320000xi32, #tpu.memory_space<hbm>> -> memref<80xi32, #tpu.memory_space<hbm>>
        %dma_wait3A_44 = tpu.memref_slice %arg4[%add3A_37] : memref<320000xi32, #tpu.memory_space<hbm>> -> memref<80xi32, #tpu.memory_space<hbm>>
        tpu.wait_dma2 semaphore(%run_scoped3A : memref<!tpu.dma_semaphore, #tpu.memory_space<semaphore_mem>>) src(%dma_wait3A_44 : memref<80xi32, #tpu.memory_space<hbm>>) dst(%arg10 : memref<80xi32, #tpu.memory_space<vmem>>)
        tpu.yield
      }) : () -> ()
      %eq3A_38 = arith.constant 0 : i32
      %eq3A_39 = arith.cmpi eq, %arg0, %eq3A_38 : i32
      %convert_element_type3A_40 = arith.extui %eq3A_39 : i1 to i32
      %cond3A_41 = arith.constant 0 : i32
      %cond3A_42 = arith.cmpi ne, %convert_element_type3A_40, %cond3A_41 : i32
      scf.if %cond3A_42 {
        "tpu.region"() ({
          %run_scoped3A = tpu.sem_alloc : memref<!tpu.dma_semaphore, #tpu.memory_space<semaphore_mem>>
          %dma_start3A = arith.constant 0 : i32
          %dma_start3A_43 = tpu.memref_slice %arg3[%add3A_37, %dma_start3A] : memref<320000x16xf32, #tpu.memory_space<hbm>> -> memref<80x16xf32, #tpu.memory_space<hbm>>
          %dma_start3A_44 = arith.constant 0 : i32
          %dma_start3A_45 = tpu.memref_slice %arg3[%add3A_37, %dma_start3A_44] : memref<320000x16xf32, #tpu.memory_space<hbm>> -> memref<80x16xf32, #tpu.memory_space<hbm>>
          tpu.enqueue_dma source(%dma_start3A_45 : memref<80x16xf32, #tpu.memory_space<hbm>>) target(%arg12 : memref<80x16xf32, #tpu.memory_space<vmem>>) target_semaphore(%run_scoped3A : memref<!tpu.dma_semaphore, #tpu.memory_space<semaphore_mem>>)
          %dma_wait3A = arith.constant 0 : i32
          %dma_wait3A_46 = tpu.memref_slice %arg3[%add3A_37, %dma_wait3A] : memref<320000x16xf32, #tpu.memory_space<hbm>> -> memref<80x16xf32, #tpu.memory_space<hbm>>
          %dma_wait3A_47 = arith.constant 0 : i32
          %dma_wait3A_48 = tpu.memref_slice %arg3[%add3A_37, %dma_wait3A_47] : memref<320000x16xf32, #tpu.memory_space<hbm>> -> memref<80x16xf32, #tpu.memory_space<hbm>>
          tpu.wait_dma2 semaphore(%run_scoped3A : memref<!tpu.dma_semaphore, #tpu.memory_space<semaphore_mem>>) src(%dma_wait3A_48 : memref<80x16xf32, #tpu.memory_space<hbm>>) dst(%arg12 : memref<80x16xf32, #tpu.memory_space<vmem>>)
          tpu.yield
        }) : () -> ()
      } else {
      }
      "tpu.region"() ({
        %run_scoped3A = tpu.sem_alloc : memref<!tpu.dma_semaphore, #tpu.memory_space<semaphore_mem>>
        %dma_start3A = arith.constant 0 : i32
        %dma_start3A_43 = arith.constant 0 : i32
        %dma_start3A_44 = tpu.memref_slice %arg14[%dma_start3A, %dma_start3A_43] : memref<10240x16xf32, #tpu.memory_space<vmem_shared>> -> memref<10240x16xf32, #tpu.memory_space<vmem_shared>>
        tpu.enqueue_indirect_dma source(%arg12 : memref<80x16xf32, #tpu.memory_space<vmem>>) target(%dma_start3A_44 : memref<10240x16xf32, #tpu.memory_space<vmem_shared>>) offsets(%arg10 : memref<80xi32, #tpu.memory_space<vmem>>) semaphore(%run_scoped3A : memref<!tpu.dma_semaphore, #tpu.memory_space<semaphore_mem>>) {add = true}
        %dma_wait3A = arith.constant 0 : i32
        %dma_wait3A_45 = arith.constant 0 : i32
        %dma_wait3A_46 = tpu.memref_slice %arg14[%dma_wait3A, %dma_wait3A_45] : memref<10240x16xf32, #tpu.memory_space<vmem_shared>> -> memref<10240x16xf32, #tpu.memory_space<vmem_shared>>
        tpu.wait_indirect_dma semaphore(%run_scoped3A : memref<!tpu.dma_semaphore, #tpu.memory_space<semaphore_mem>>) src(%arg12 : memref<80x16xf32, #tpu.memory_space<vmem>>) dst(%dma_wait3A_46 : memref<10240x16xf32, #tpu.memory_space<vmem_shared>>)
        tpu.yield
      }) : () -> ()
    }
    %scan3A_21 = arith.constant 250 : i32
    %barrier3A_22 = arith.constant 0 : index
    tpu.barrier barrier_id(%barrier3A_22)
    %mul3A_23 = arith.constant 10240 : i32
    %mul3A_24 = arith.muli %arg0, %mul3A_23 : i32
    %add3A = arith.addi %mul3A_24, %mul3A_0 : i32
    "tpu.region"() ({
      %run_scoped3A = tpu.sem_alloc : memref<!tpu.dma_semaphore, #tpu.memory_space<semaphore_mem>>
      %dma_start3A = arith.constant 0 : i32
      %dma_start3A_28 = tpu.memref_slice %arg8[%add3A, %dma_start3A] : memref<20480x128xf32, #tpu.memory_space<hbm>> -> memref<640x128xf32, #tpu.memory_space<hbm>>
      %dma_start3A_29 = arith.constant 0 : i32
      %dma_start3A_30 = tpu.memref_slice %arg13[%mul3A_0, %dma_start3A_29] : memref<10240x128xf32, #tpu.memory_space<vmem_shared>> -> memref<640x128xf32, #tpu.memory_space<vmem_shared>>
      tpu.enqueue_dma source(%dma_start3A_30 : memref<640x128xf32, #tpu.memory_space<vmem_shared>>) target(%dma_start3A_28 : memref<640x128xf32, #tpu.memory_space<hbm>>) target_semaphore(%run_scoped3A : memref<!tpu.dma_semaphore, #tpu.memory_space<semaphore_mem>>)
      %dma_wait3A = arith.constant 0 : i32
      %dma_wait3A_31 = tpu.memref_slice %arg8[%add3A, %dma_wait3A] : memref<20480x128xf32, #tpu.memory_space<hbm>> -> memref<640x128xf32, #tpu.memory_space<hbm>>
      %dma_wait3A_32 = arith.constant 0 : i32
      %dma_wait3A_33 = tpu.memref_slice %arg13[%mul3A_0, %dma_wait3A_32] : memref<10240x128xf32, #tpu.memory_space<vmem_shared>> -> memref<640x128xf32, #tpu.memory_space<vmem_shared>>
      tpu.wait_dma2 semaphore(%run_scoped3A : memref<!tpu.dma_semaphore, #tpu.memory_space<semaphore_mem>>) src(%dma_wait3A_33 : memref<640x128xf32, #tpu.memory_space<vmem_shared>>) dst(%dma_wait3A_31 : memref<640x128xf32, #tpu.memory_space<hbm>>)
      tpu.yield
    }) : () -> ()
    %mul3A_25 = arith.constant 10240 : i32
    %mul3A_26 = arith.muli %arg0, %mul3A_25 : i32
    %add3A_27 = arith.addi %mul3A_26, %mul3A_0 : i32
    "tpu.region"() ({
      %run_scoped3A = tpu.sem_alloc : memref<!tpu.dma_semaphore, #tpu.memory_space<semaphore_mem>>
      %dma_start3A = arith.constant 0 : i32
      %dma_start3A_28 = tpu.memref_slice %arg9[%add3A_27, %dma_start3A] : memref<20480x16xf32, #tpu.memory_space<hbm>> -> memref<640x16xf32, #tpu.memory_space<hbm>>
      %dma_start3A_29 = arith.constant 0 : i32
      %dma_start3A_30 = tpu.memref_slice %arg14[%mul3A_0, %dma_start3A_29] : memref<10240x16xf32, #tpu.memory_space<vmem_shared>> -> memref<640x16xf32, #tpu.memory_space<vmem_shared>>
      tpu.enqueue_dma source(%dma_start3A_30 : memref<640x16xf32, #tpu.memory_space<vmem_shared>>) target(%dma_start3A_28 : memref<640x16xf32, #tpu.memory_space<hbm>>) target_semaphore(%run_scoped3A : memref<!tpu.dma_semaphore, #tpu.memory_space<semaphore_mem>>)
      %dma_wait3A = arith.constant 0 : i32
      %dma_wait3A_31 = tpu.memref_slice %arg9[%add3A_27, %dma_wait3A] : memref<20480x16xf32, #tpu.memory_space<hbm>> -> memref<640x16xf32, #tpu.memory_space<hbm>>
      %dma_wait3A_32 = arith.constant 0 : i32
      %dma_wait3A_33 = tpu.memref_slice %arg14[%mul3A_0, %dma_wait3A_32] : memref<10240x16xf32, #tpu.memory_space<vmem_shared>> -> memref<640x16xf32, #tpu.memory_space<vmem_shared>>
      tpu.wait_dma2 semaphore(%run_scoped3A : memref<!tpu.dma_semaphore, #tpu.memory_space<semaphore_mem>>) src(%dma_wait3A_33 : memref<640x16xf32, #tpu.memory_space<vmem_shared>>) dst(%dma_wait3A_31 : memref<640x16xf32, #tpu.memory_space<hbm>>)
      tpu.yield
    }) : () -> ()
    return
  }
}

module attributes {stable_mosaic.version = 14 : i64} {
  func.func @_gate_body(%arg0: i32, %arg1: memref<2000x128xf32, #tpu.memory_space<vmem>>, %arg2: memref<128x1xf32, #tpu.memory_space<vmem>>, %arg3: memref<1x1xf32, #tpu.memory_space<vmem>>, %arg4: memref<2000x128xf32, #tpu.memory_space<vmem>>) attributes {dimension_semantics = [#tpu.dimension_semantics<arbitrary>], iteration_bounds = array<i64: 160>, scalar_prefetch = 0 : i64, scratch_operands = 0 : i64, tpu.core_type = #tpu.core_type<tc>, window_params = [{transform_indices = @transform_0, window_bounds = array<i64: 2000, 128>}, {pipeline_mode = #tpu.pipeline_mode<synchronous>, transform_indices = @transform_1, window_bounds = array<i64: 128, 1>}, {pipeline_mode = #tpu.pipeline_mode<synchronous>, transform_indices = @transform_2, window_bounds = array<i64: 1, 1>}, {transform_indices = @transform_3, window_bounds = array<i64: 2000, 128>}]} {
    %get3A = arith.constant 0 : index
    %get3A_0 = arith.constant 0 : index
    %get3A_1 = vector.load %arg1[%get3A, %get3A_0] : memref<2000x128xf32, #tpu.memory_space<vmem>>, vector<2000x128xf32>
    %get3A_2 = arith.constant 0 : index
    %get3A_3 = arith.constant 0 : index
    %get3A_4 = vector.load %arg2[%get3A_2, %get3A_3] : memref<128x1xf32, #tpu.memory_space<vmem>>, vector<128x1xf32>
    %dot_general3A = arith.constant dense<0.000000e+00> : vector<2000x1xf32>
    %dot_general3A_5 = tpu.matmul %get3A_1, %get3A_4, %dot_general3A {dimension_numbers = #tpu.dot_dimension_numbers<[1], [0], [0], [1], [0, 0, 1, 1], [], []>, transpose_lhs_hint = false} : vector<2000x128xf32>, vector<128x1xf32>, vector<2000x1xf32> -> vector<2000x1xf32>
    %get3A_6 = arith.constant 0 : index
    %get3A_7 = arith.constant 0 : index
    %get3A_8 = vector.load %arg3[%get3A_6, %get3A_7] : memref<1x1xf32, #tpu.memory_space<vmem>>, vector<1x1xf32>
    %get3A_9 = vector.extract %get3A_8[0, 0] : f32 from vector<1x1xf32>
    %add3A = vector.broadcast %get3A_9 : f32 to vector<2000x1xf32>
    %add3A_10 = arith.addf %dot_general3A_5, %add3A : vector<2000x1xf32>
    %logistic3A = arith.negf %add3A_10 : vector<2000x1xf32>
    %logistic3A_11 = math.exp %logistic3A : vector<2000x1xf32>
    %logistic3A_12 = arith.constant 1.000000e+00 : f32
    %logistic3A_13 = vector.broadcast %logistic3A_12 : f32 to vector<2000x1xf32>
    %logistic3A_14 = arith.addf %logistic3A_13, %logistic3A_11 : vector<2000x1xf32>
    %logistic3A_15 = arith.divf %logistic3A_13, %logistic3A_14 : vector<2000x1xf32>
    %mul3A = vector.broadcast %logistic3A_15 : vector<2000x1xf32> to vector<2000x128xf32>
    %mul3A_16 = arith.mulf %mul3A, %get3A_1 : vector<2000x128xf32>
    %swap3A = arith.constant 0 : index
    %swap3A_17 = arith.constant 0 : index
    %swap3A_18 = vector.load %arg4[%swap3A, %swap3A_17] : memref<2000x128xf32, #tpu.memory_space<vmem>>, vector<2000x128xf32>
    tpu.vector_store %arg4[%swap3A, %swap3A_17], %mul3A_16 {strides = array<i32>} : memref<2000x128xf32, #tpu.memory_space<vmem>>, vector<2000x128xf32>,
    return
  }
  func.func @transform_0(%arg0: i32) -> (i32, i32) {
    %c0_i32 = arith.constant 0 : i32
    %c0_i32_0 = arith.constant 0 : i32
    return %arg0, %c0_i32 : i32, i32
  }
  func.func @transform_1(%arg0: i32) -> (i32, i32) {
    %c0_i32 = arith.constant 0 : i32
    %c0_i32_0 = arith.constant 0 : i32
    %c0_i32_1 = arith.constant 0 : i32
    return %c0_i32, %c0_i32_0 : i32, i32
  }
  func.func @transform_2(%arg0: i32) -> (i32, i32) {
    %c0_i32 = arith.constant 0 : i32
    %c0_i32_0 = arith.constant 0 : i32
    %c0_i32_1 = arith.constant 0 : i32
    return %c0_i32, %c0_i32_0 : i32, i32
  }
  func.func @transform_3(%arg0: i32) -> (i32, i32) {
    %c0_i32 = arith.constant 0 : i32
    %c0_i32_0 = arith.constant 0 : i32
    return %arg0, %c0_i32 : i32, i32
  }
}

module attributes {stable_mosaic.version = 14 : i64} {
  func.func @_head_body(%arg0: i32, %arg1: memref<2x2048x128xf32, #tpu.memory_space<vmem>>, %arg2: memref<2x2048x16xf32, #tpu.memory_space<vmem>>, %arg3: memref<128x16xf32, #tpu.memory_space<vmem>>, %arg4: memref<1x16xf32, #tpu.memory_space<vmem>>, %arg5: memref<1x1xf32, #tpu.memory_space<smem>>, %arg6: memref<2xf32, #tpu.memory_space<smem>>) attributes {dimension_semantics = [#tpu.dimension_semantics<arbitrary>], iteration_bounds = array<i64: 5>, scalar_prefetch = 0 : i64, scratch_operands = 1 : i64, tpu.core_type = #tpu.core_type<tc>, window_params = [{transform_indices = @transform_0, window_bounds = array<i64: 2, 2048, 128>}, {transform_indices = @transform_1, window_bounds = array<i64: 2, 2048, 16>}, {pipeline_mode = #tpu.pipeline_mode<synchronous>, transform_indices = @transform_2, window_bounds = array<i64: 128, 16>}, {pipeline_mode = #tpu.pipeline_mode<synchronous>, transform_indices = @transform_3, window_bounds = array<i64: 1, 16>}, {transform_indices = @transform_4, window_bounds = array<i64: 1, 1>}]} {
    %eq3A = arith.constant 0 : i32
    %eq3A_0 = arith.cmpi eq, %arg0, %eq3A : i32
    %convert_element_type3A = arith.extui %eq3A_0 : i1 to i32
    %cond3A = arith.constant 0 : i32
    %cond3A_1 = arith.cmpi ne, %convert_element_type3A, %cond3A : i32
    scf.if %cond3A_1 {
      %swap3A_91 = arith.constant 0.000000e+00 : f32
      %swap3A_92 = arith.constant 0 : index
      %swap3A_93 = memref.load %arg6[%swap3A_92] : memref<2xf32, #tpu.memory_space<smem>>
      memref.store %swap3A_91, %arg6[%swap3A_92] : memref<2xf32, #tpu.memory_space<smem>>
      %swap3A_94 = arith.constant 0.000000e+00 : f32
      %swap3A_95 = arith.constant 1 : index
      %swap3A_96 = memref.load %arg6[%swap3A_95] : memref<2xf32, #tpu.memory_space<smem>>
      memref.store %swap3A_94, %arg6[%swap3A_95] : memref<2xf32, #tpu.memory_space<smem>>
    } else {
    }
    %get3A = arith.constant 0 : index
    %get3A_2 = arith.constant 0 : index
    %get3A_3 = arith.constant 0 : index
    %get3A_4 = vector.load %arg1[%get3A, %get3A_2, %get3A_3] : memref<2x2048x128xf32, #tpu.memory_space<vmem>>, vector<1x2048x128xf32>
    %get3A_5 = vector.shape_cast %get3A_4 : vector<1x2048x128xf32> to vector<2048x128xf32>
    %get3A_6 = arith.constant 1 : index
    %get3A_7 = arith.constant 0 : index
    %get3A_8 = arith.constant 0 : index
    %get3A_9 = vector.load %arg1[%get3A_6, %get3A_7, %get3A_8] : memref<2x2048x128xf32, #tpu.memory_space<vmem>>, vector<1x2048x128xf32>
    %get3A_10 = vector.shape_cast %get3A_9 : vector<1x2048x128xf32> to vector<2048x128xf32>
    %add3A = arith.addf %get3A_5, %get3A_10 : vector<2048x128xf32>
    %get3A_11 = arith.constant 0 : index
    %get3A_12 = arith.constant 0 : index
    %get3A_13 = arith.constant 0 : index
    %get3A_14 = vector.load %arg2[%get3A_11, %get3A_12, %get3A_13] : memref<2x2048x16xf32, #tpu.memory_space<vmem>>, vector<1x2048x16xf32>
    %get3A_15 = vector.shape_cast %get3A_14 : vector<1x2048x16xf32> to vector<2048x16xf32>
    %get3A_16 = arith.constant 1 : index
    %get3A_17 = arith.constant 0 : index
    %get3A_18 = arith.constant 0 : index
    %get3A_19 = vector.load %arg2[%get3A_16, %get3A_17, %get3A_18] : memref<2x2048x16xf32, #tpu.memory_space<vmem>>, vector<1x2048x16xf32>
    %get3A_20 = vector.shape_cast %get3A_19 : vector<1x2048x16xf32> to vector<2048x16xf32>
    %slice3A = vector.extract_strided_slice %get3A_20 {offsets = [0, 0], sizes = [2048, 1], strides = [1, 1]} : vector<2048x16xf32> to vector<2048x1xf32>
    %gt3A = arith.constant 0.000000e+00 : f32
    %gt3A_21 = vector.broadcast %gt3A : f32 to vector<2048x1xf32>
    %gt3A_22 = arith.cmpf ogt, %slice3A, %gt3A_21 : vector<2048x1xf32>
    %convert_element_type3A_23 = arith.extui %gt3A_22 : vector<2048x1xi1> to vector<2048x1xi32>
    %convert_element_type3A_24 = arith.sitofp %convert_element_type3A_23 : vector<2048x1xi32> to vector<2048x1xf32>
    %gt3A_25 = arith.constant 0.000000e+00 : f32
    %gt3A_26 = vector.broadcast %gt3A_25 : f32 to vector<2048x1xf32>
    %gt3A_27 = arith.cmpf ogt, %slice3A, %gt3A_26 : vector<2048x1xf32>
    %jit3A = arith.constant 1.000000e+00 : f32
    %broadcast_in_dim3A = vector.broadcast %jit3A : f32 to vector<2048x1xf32>
    %select_n3A = arith.select %gt3A_27, %slice3A, %broadcast_in_dim3A : vector<2048x1xi1>, vector<2048x1xf32>
    %div3A = vector.broadcast %select_n3A : vector<2048x1xf32> to vector<2048x128xf32>
    %div3A_28 = arith.divf %add3A, %div3A : vector<2048x128xf32>
    %get3A_29 = arith.constant 0 : index
    %get3A_30 = arith.constant 0 : index
    %get3A_31 = vector.load %arg3[%get3A_29, %get3A_30] : memref<128x16xf32, #tpu.memory_space<vmem>>, vector<128x16xf32>
    %dot_general3A = arith.constant dense<0.000000e+00> : vector<2048x16xf32>
    %dot_general3A_32 = tpu.matmul %div3A_28, %get3A_31, %dot_general3A {dimension_numbers = #tpu.dot_dimension_numbers<[1], [0], [0], [1], [0, 0, 1, 1], [], []>, transpose_lhs_hint = false} : vector<2048x128xf32>, vector<128x16xf32>, vector<2048x16xf32> -> vector<2048x16xf32>
    %get3A_33 = arith.constant 0 : index
    %get3A_34 = arith.constant 0 : index
    %get3A_35 = vector.load %arg4[%get3A_33, %get3A_34] : memref<1x16xf32, #tpu.memory_space<vmem>>, vector<1x16xf32>
    %add3A_36 = vector.broadcast %get3A_35 : vector<1x16xf32> to vector<2048x16xf32>
    %add3A_37 = arith.addf %dot_general3A_32, %add3A_36 : vector<2048x16xf32>
    %reduce_max3A = arith.constant dense<0xFF800000> : vector<2048xf32>
    %reduce_max3A_38 = vector.multi_reduction <maximumf>, %add3A_37, %reduce_max3A [1] : vector<2048x16xf32> to vector<2048xf32>
    %max3A = arith.constant 0xFF800000 : f32
    %max3A_39 = vector.broadcast %max3A : f32 to vector<2048xf32>
    %max3A_40 = arith.maximumf %max3A_39, %reduce_max3A_38 : vector<2048xf32>
    %broadcast_in_dim3A_41 = vector.shape_cast %max3A_40 : vector<2048xf32> to vector<2048x1xf32>
    %sub3A = vector.broadcast %broadcast_in_dim3A_41 : vector<2048x1xf32> to vector<2048x16xf32>
    %sub3A_42 = arith.subf %add3A_37, %sub3A : vector<2048x16xf32>
    %exp3A = math.exp %sub3A_42 : vector<2048x16xf32>
    %reduce_sum3A = arith.constant dense<0.000000e+00> : vector<2048xf32>
    %reduce_sum3A_43 = vector.multi_reduction <add>, %exp3A, %reduce_sum3A [1] : vector<2048x16xf32> to vector<2048xf32>
    %broadcast_in_dim3A_44 = vector.shape_cast %reduce_sum3A_43 : vector<2048xf32> to vector<2048x1xf32>
    %div3A_45 = vector.broadcast %broadcast_in_dim3A_44 : vector<2048x1xf32> to vector<2048x16xf32>
    %div3A_46 = arith.divf %exp3A, %div3A_45 : vector<2048x16xf32>
    %reduce_max3A_47 = arith.constant dense<0xFF800000> : vector<2048xf32>
    %reduce_max3A_48 = vector.multi_reduction <maximumf>, %div3A_46, %reduce_max3A_47 [1] : vector<2048x16xf32> to vector<2048xf32>
    %max3A_49 = arith.constant 0xFF800000 : f32
    %max3A_50 = vector.broadcast %max3A_49 : f32 to vector<2048xf32>
    %max3A_51 = arith.maximumf %max3A_50, %reduce_max3A_48 : vector<2048xf32>
    %broadcast_in_dim3A_52 = vector.shape_cast %max3A_51 : vector<2048xf32> to vector<2048x1xf32>
    %sub3A_53 = vector.broadcast %broadcast_in_dim3A_52 : vector<2048x1xf32> to vector<2048x16xf32>
    %sub3A_54 = arith.subf %div3A_46, %sub3A_53 : vector<2048x16xf32>
    %exp3A_55 = math.exp %sub3A_54 : vector<2048x16xf32>
    %reduce_sum3A_56 = arith.constant dense<0.000000e+00> : vector<2048xf32>
    %reduce_sum3A_57 = vector.multi_reduction <add>, %exp3A_55, %reduce_sum3A_56 [1] : vector<2048x16xf32> to vector<2048xf32>
    %broadcast_in_dim3A_58 = vector.shape_cast %reduce_sum3A_57 : vector<2048xf32> to vector<2048x1xf32>
    %log3A = math.log %broadcast_in_dim3A_58 : vector<2048x1xf32>
    %sub3A_59 = vector.broadcast %log3A : vector<2048x1xf32> to vector<2048x16xf32>
    %sub3A_60 = arith.subf %sub3A_54, %sub3A_59 : vector<2048x16xf32>
    %div3A_61 = vector.broadcast %select_n3A : vector<2048x1xf32> to vector<2048x16xf32>
    %div3A_62 = arith.divf %get3A_15, %div3A_61 : vector<2048x16xf32>
    %mul3A = arith.mulf %div3A_62, %sub3A_60 : vector<2048x16xf32>
    %reduce_sum3A_63 = arith.constant dense<0.000000e+00> : vector<2048xf32>
    %reduce_sum3A_64 = vector.multi_reduction <add>, %mul3A, %reduce_sum3A_63 [1] : vector<2048x16xf32> to vector<2048xf32>
    %broadcast_in_dim3A_65 = vector.shape_cast %reduce_sum3A_64 : vector<2048xf32> to vector<2048x1xf32>
    %get3A_66 = arith.constant 0 : index
    %get3A_67 = memref.load %arg6[%get3A_66] : memref<2xf32, #tpu.memory_space<smem>>
    %mul3A_68 = arith.mulf %broadcast_in_dim3A_65, %convert_element_type3A_24 : vector<2048x1xf32>
    %reduce_sum3A_69 = vector.shape_cast %mul3A_68 : vector<2048x1xf32> to vector<1x2048x1xf32>
    %reduce_sum3A_70 = arith.constant dense<0.000000e+00> : vector<1xf32>
    %reduce_sum3A_71 = vector.multi_reduction <add>, %reduce_sum3A_69, %reduce_sum3A_70 [1, 2] : vector<1x2048x1xf32> to vector<1xf32>
    %reduce_sum3A_72 = vector.shape_cast %reduce_sum3A_71 : vector<1xf32> to vector<1x1x1xf32>
    %reduce_sum3A_73 = vector.extract %reduce_sum3A_72[0, 0, 0] : f32 from vector<1x1x1xf32>
    %add3A_74 = arith.addf %get3A_67, %reduce_sum3A_73 : f32
    %swap3A = arith.constant 0 : index
    %swap3A_75 = memref.load %arg6[%swap3A] : memref<2xf32, #tpu.memory_space<smem>>
    memref.store %add3A_74, %arg6[%swap3A] : memref<2xf32, #tpu.memory_space<smem>>
    %get3A_76 = arith.constant 1 : index
    %get3A_77 = memref.load %arg6[%get3A_76] : memref<2xf32, #tpu.memory_space<smem>>
    %reduce_sum3A_78 = vector.shape_cast %convert_element_type3A_24 : vector<2048x1xf32> to vector<1x2048x1xf32>
    %reduce_sum3A_79 = arith.constant dense<0.000000e+00> : vector<1xf32>
    %reduce_sum3A_80 = vector.multi_reduction <add>, %reduce_sum3A_78, %reduce_sum3A_79 [1, 2] : vector<1x2048x1xf32> to vector<1xf32>
    %reduce_sum3A_81 = vector.shape_cast %reduce_sum3A_80 : vector<1xf32> to vector<1x1x1xf32>
    %reduce_sum3A_82 = vector.extract %reduce_sum3A_81[0, 0, 0] : f32 from vector<1x1x1xf32>
    %add3A_83 = arith.addf %get3A_77, %reduce_sum3A_82 : f32
    %swap3A_84 = arith.constant 1 : index
    %swap3A_85 = memref.load %arg6[%swap3A_84] : memref<2xf32, #tpu.memory_space<smem>>
    memref.store %add3A_83, %arg6[%swap3A_84] : memref<2xf32, #tpu.memory_space<smem>>
    %eq3A_86 = arith.constant 4 : i32
    %eq3A_87 = arith.cmpi eq, %arg0, %eq3A_86 : i32
    %convert_element_type3A_88 = arith.extui %eq3A_87 : i1 to i32
    %cond3A_89 = arith.constant 0 : i32
    %cond3A_90 = arith.cmpi ne, %convert_element_type3A_88, %cond3A_89 : i32
    scf.if %cond3A_90 {
      %get3A_91 = arith.constant 0 : index
      %get3A_92 = memref.load %arg6[%get3A_91] : memref<2xf32, #tpu.memory_space<smem>>
      %neg3A = arith.constant 0.000000e+00 : f32
      %neg3A_93 = arith.subf %neg3A, %get3A_92 : f32
      %get3A_94 = arith.constant 1 : index
      %get3A_95 = memref.load %arg6[%get3A_94] : memref<2xf32, #tpu.memory_space<smem>>
      %div3A_96 = arith.divf %neg3A_93, %get3A_95 : f32
      %swap3A_97 = arith.constant 0 : index
      %swap3A_98 = arith.constant 0 : index
      %swap3A_99 = memref.load %arg5[%swap3A_97, %swap3A_98] : memref<1x1xf32, #tpu.memory_space<smem>>
      memref.store %div3A_96, %arg5[%swap3A_97, %swap3A_98] : memref<1x1xf32, #tpu.memory_space<smem>>
    } else {
    }
    return
  }
  func.func @transform_0(%arg0: i32) -> (i32, i32, i32) {
    %c0_i32 = arith.constant 0 : i32
    %c0_i32_0 = arith.constant 0 : i32
    %c0_i32_1 = arith.constant 0 : i32
    return %c0_i32, %arg0, %c0_i32_0 : i32, i32, i32
  }
  func.func @transform_1(%arg0: i32) -> (i32, i32, i32) {
    %c0_i32 = arith.constant 0 : i32
    %c0_i32_0 = arith.constant 0 : i32
    %c0_i32_1 = arith.constant 0 : i32
    return %c0_i32, %arg0, %c0_i32_0 : i32, i32, i32
  }
  func.func @transform_2(%arg0: i32) -> (i32, i32) {
    %c0_i32 = arith.constant 0 : i32
    %c0_i32_0 = arith.constant 0 : i32
    %c0_i32_1 = arith.constant 0 : i32
    return %c0_i32, %c0_i32_0 : i32, i32
  }
  func.func @transform_3(%arg0: i32) -> (i32, i32) {
    %c0_i32 = arith.constant 0 : i32
    %c0_i32_0 = arith.constant 0 : i32
    %c0_i32_1 = arith.constant 0 : i32
    return %c0_i32, %c0_i32_0 : i32, i32
  }
  func.func @transform_4(%arg0: i32) -> (i32, i32) {
    %c0_i32 = arith.constant 0 : i32
    %c0_i32_0 = arith.constant 0 : i32
    %c0_i32_1 = arith.constant 0 : i32
    return %c0_i32, %c0_i32_0 : i32, i32
  }
}

</mosaic_0001>

<sc_bundles>
// kernel: kernel.5.cloned.1.call-start
scs
__scs_entry_jumppad:
0x0: {  	(pc) =	sbr.rel $0x88, $3  }
0x1: {  	(tag) =	ssettag $0x0;
	lr =	simm.s32 $0x1  }
0x2: {  	[smem:$0x3F9A] =	sst lr;
	_ =	strace $0xD0000000  }
0x3: {  	_ = 	snop  }
0x4: {  	_ = 	snop  }
0x5: {  	_ = 	snop  }
0x6: {  	_ = 	snop  }
0x7: {  	_ = 	snop  }
__scs_overlays_trampoline_lowered:
0x8: {  	[smem:$0x3FA9] =	sst s0  }
0x9: {  	[smem:$0x3FAA] =	sst s1  }
0xa: {  	[smem:$0x3FAB] =	sst s2  }
0xb: {  	[smem:$0x3FAC] =	sst s3  }
0xc: {  	[smem:$0x3FAD] =	sst s4  }
0xd: {  	[smem:$0x3FAE] =	sst s5  }
0xe: {  	[smem:$0x3FAF] =	sst s6  }
0xf: {  	[smem:$0x3FB0] =	sst s7  }
0x10: {  	[smem:$0x3FB1] =	sst s8  }
0x11: {  	[smem:$0x3FB2] =	sst s9;
	s0 =	simm.s32 @!p0 $0x0  }
0x12: {  	s1 =	sld [smem:$0x3F98];
	s0 =	simm.s32 @p0 $0x1  }
0x13: {  	[smem:$0x3FB3] =	sst s0;
	s0 =	simm.s32 @!p1 $0x0  }
0x14: {  	s2 =	sld [smem:$0x3F97];
	s0 =	simm.s32 @p1 $0x1  }
0x15: {  	[smem:$0x3FB4] =	sst s0;
	s0 =	simm.s32 @!p2 $0x0  }
0x16: {  	s3 =	sld [smem:$0x3FDB];
	s0 =	simm.s32 @p2 $0x1  }
0x17: {  	s4 =	simm.s32 $0x1BF5;
	[smem:$0x3FB6] =	sst s0  }
0x18: {  	s0 =	sld [smem:$0x3F99];
	_ =	swait.ge [sflag:s4], $0x0  }
0x19: {  	s7 =	sld [smem:$0x3F9A]  }
0x1a: {  	s8 =	sadd.s32 $0xFFFFE003, lr  }
0x1b: {  	s9 =	sadd.s32 $0xFFFFFEF7, lr;
	s5 =	simm.s32 $0xFFFFFFFF;
	p2 =	slt.u32 s8, $0xFFFFF086  }
0x1c: {  	p1 =	slt.u32 s9, $0xF7A;
	s5 =	simm.s32 @!p2 $0x0  }
0x1d: {  	s5 =	simm.s32 @p1 $0x1;
	p0 =	seq.s32 s7, s2  }
0x1e: {  	s7 =	smul.u32 @!p0 $0xF7A, s2;
	p2 =	seq.s32 @!p0 s5, $0x0  }
0x1f: {  	s9 =	smul.u32 $0xF7A, s1;
	s8 =	simm.s32 @!p0 $0x1BF5;
	p2 =	por !p2, p0  }
0x20: {  	[sflag:s8] =	ssyncset.s32 @!p0 $0xFFFFF086;
	s6 =	sadd.s32 @!p0 s3, s7;
	s7 =	simm.s32 @!p0 $0x108  }
0x21: {  	s3 =	sadd.s32 s3, s9;
	s6 =	sadd.s32 @!p0 $0x88, s6;
	s7 =	simm.s32 @p2 $0x1082  }
0x22: {  	[simem:s7], [sflag:s8] =	dma.local @!p0 [hbm:s6], $0xF7A  }
0x23: {  	s9 =	sor.u32 $0xD0000000, s2;
	s6 =	simm.s32 $0x108;
	_ =	swait.ge @!p0 [sflag:s8], $0x0  }
0x24: {  	s3 =	sadd.s32 $0x88, s3;
	s6 =	simm.s32 @!p1 $0x1082;
	[sflag:s4] =	ssyncset.s32 $0xFFFFF086  }
0x25: {  	[simem:s6], [sflag:s4] =	dma.local [hbm:s3], $0xF7A  }
0x26: {  	[smem:$0x3F9A] =	sst s1;
	(tag) =	ssettag s2;
	_ =	strace s9  }
0x27: {  	s1 =	sld [smem:$0x3FAA]  }
0x28: {  	s2 =	sld [smem:$0x3FAB]  }
0x29: {  	s4 =	sld [smem:$0x3FAD]  }
0x2a: {  	p0 =	seq.s32 s5, $0x0;
	s5 =	sld [smem:$0x3FAE]  }
0x2b: {  	s6 =	sld [smem:$0x3FAF]  }
0x2c: {  	s7 =	sld [smem:$0x3FB0]  }
0x2d: {  	s3 =	simm.s32 $0x108;
	s8 =	sld [smem:$0x3FB1]  }
0x2e: {  	s3 =	simm.s32 @!p0 $0x1082;
	s9 =	sld [smem:$0x3FB2]  }
0x2f: {  	lr =	sadd.s32 s0, s3;
	s0 =	sld [smem:$0x3FA9]  }
0x30: {  	s3 =	sld [smem:$0x3FAC]  }
0x31: {  	[smem:$0x3FB5] =	sst s10  }
0x32: {  	s10 =	sld [smem:$0x3FB3];
	_ =	sdelay $0x3  }
0x33: {  	p0 =	seq.s32 s10, $0x1;
	s10 =	sld [smem:$0x3FB5];
	_ =	sdelay $0x3  }
0x34: {  	[smem:$0x3FB5] =	sst s10  }
0x35: {  	s10 =	sld [smem:$0x3FB4];
	_ =	sdelay $0x3  }
0x36: {  	p1 =	seq.s32 s10, $0x1;
	s10 =	sld [smem:$0x3FB5];
	_ =	sdelay $0x3  }
0x37: {  	[smem:$0x3FB5] =	sst s10  }
0x38: {  	s10 =	sld [smem:$0x3FB6]  }
0x39: {  	_ = 	snop;
	(pc) =	sbr.ind lr, $3  }
0x3a: {  	_ = 	snop  }
0x3b: {  	_ = 	snop  }
0x3c: {  	p2 =	seq.s32 s10, $0x1;
	s10 =	sld [smem:$0x3FB5]  }
0x3d: {  	_ =	shalt  }
0x3e: {  	_ =	shalt  }
0x3f: {  	_ =	shalt  }
0x40: {  	_ =	shalt  }
0x41: {  	_ =	shalt  }
0x42: {  	_ =	shalt  }
0x43: {  	_ =	shalt  }
0x44: {  	_ =	shalt  }
0x45: {  	_ =	shalt  }
0x46: {  	_ =	shalt  }
0x47: {  	_ =	shalt  }
0x48: {  	_ =	shalt  }
0x49: {  	_ =	shalt  }
0x4a: {  	_ =	shalt  }
0x4b: {  	_ =	shalt  }
0x4c: {  	_ =	shalt  }
0x4d: {  	_ =	shalt  }
0x4e: {  	_ =	shalt  }
0x4f: {  	_ =	shalt  }
0x50: {  	_ =	shalt  }
0x51: {  	_ =	shalt  }
0x52: {  	_ =	shalt  }
0x53: {  	_ =	shalt  }
0x54: {  	_ =	shalt  }
0x55: {  	_ =	shalt  }
0x56: {  	_ =	shalt  }
0x57: {  	_ =	shalt  }
0x58: {  	_ =	shalt  }
0x59: {  	_ =	shalt  }
0x5a: {  	_ =	shalt  }
0x5b: {  	_ =	shalt  }
0x5c: {  	_ =	shalt  }
0x5d: {  	_ =	shalt  }
0x5e: {  	_ =	shalt  }
0x5f: {  	_ =	shalt  }
0x60: {  	_ =	shalt  }
0x61: {  	_ =	shalt  }
0x62: {  	_ =	shalt  }
0x63: {  	_ =	shalt  }
0x64: {  	_ =	shalt  }
0x65: {  	_ =	shalt  }
0x66: {  	_ =	shalt  }
0x67: {  	_ =	shalt  }
0x68: {  	_ =	shalt  }
0x69: {  	_ =	shalt  }
0x6a: {  	_ =	shalt  }
0x6b: {  	_ =	shalt  }
0x6c: {  	_ =	shalt  }
0x6d: {  	_ =	shalt  }
0x6e: {  	_ =	shalt  }
0x6f: {  	_ =	shalt  }
0x70: {  	_ =	shalt  }
0x71: {  	_ =	shalt  }
0x72: {  	_ =	shalt  }
0x73: {  	_ =	shalt  }
0x74: {  	_ =	shalt  }
0x75: {  	_ =	shalt  }
0x76: {  	_ =	shalt  }
0x77: {  	_ =	shalt  }
0x78: {  	_ =	shalt  }
0x79: {  	_ =	shalt  }
0x7a: {  	_ =	shalt  }
0x7b: {  	_ =	shalt  }
0x7c: {  	_ =	shalt  }
0x7d: {  	_ =	shalt  }
0x7e: {  	_ =	shalt  }
0x7f: {  	_ =	shalt  }
0x80: {  	_ =	shalt  }
0x81: {  	_ =	shalt  }
0x82: {  	_ =	shalt  }
0x83: {  	_ =	shalt  }
0x84: {  	_ =	shalt  }
0x85: {  	_ =	shalt  }
0x86: {  	_ =	shalt  }
0x87: {  	_ =	shalt  }
.Lfunc_end0:
.L_simem_size_0:
called_computation_lowered:
.L_overlay_start_0:
0x88: {  	s2 =	sld [smem:$0x3FD9]  }
0x89: {  	s3 =	sld [smem:$0x3FFE];
	_ =	sdelay $0x1  }
0x8a: {  	s1 =	srdreg.scid  }
0x8b: {  	s0 =	sand.u32 $0x1, s1  }
0x8c: {  	s17 =	sshll.u32 s0, $0xA;
	s2 =	sadd.s32 s3, s2  }
0x8d: {  	s2 =	sadd.s32 s2, s17  }
0x8e: {  	[smem:$0x3FC1] =	sst s2  }
0x8f: {  	_ = 	snop  }
0x90: {  	s2 =	sld [smem:$0x3FC8];
	(tm) =	ssettm $0x1  }
0x91: {  	s18 =	sld [smem:$0x3FFB];
	_ =	sdelay $0x3  }
0x92: {  	_ =	strace s18  }
0x93: {  	s3 =	sld [smem:$0x3FFC];
	_ =	sdelay $0x3  }
0x94: {  	_ =	strace s3  }
0x95: {  	s3 =	sld [smem:$0x3FFD];
	_ =	sdelay $0x3  }
0x96: {  	_ =	strace s3  }
0x97: {  	_ =	strace $0x8FFFFFFF  }
0x98: {  	s19 =	sld [smem:$0x3FDB];
	_ =	sdelay $0x1  }
0x99: {  	s4 =	simm.s32 $_scs_section_size  }
0x9a: {  	s5 =	simm.s32 $_size__tile_overlayer_lowered;
	s6 =	simm.s32 $_tile_overlayer_lowered  }
0x9b: {  	s22 =	simm.s32 $0x1BFF;
	s21 =	sshll.u32 s6, $0x1;
	s3 =	sadd.s32 s4, s19  }
0x9c: {  	s7 =	simm.s32 $0x0;
	s20 =	sshll.u32 s5, $0x1;
	s5 =	sadd.s32 s21, s3  }
0x9d: {  	[timem:s7], [sflag:s22] =	dma.local [hbm:s5], s20  }
0x9e: {  	_ =	swait.ge [sflag:s22], s20  }
0x9f: {  	s4 =	ssub.s32 $0x0, s20;
	[sflag:s22] =	ssyncset.done $0x0  }
0xa0: {  	[sflag:s22] =	ssyncadd.s32 s4;
	_ =	sdelay $0x1  }
0xa1: {  	s23 =	simm.s32 $0x1B8B  }
0xa2: {  	_ =	swait.ge [sflag:s23], $0x1  }
0xa3: {  	[sflag:s23] =	ssyncset.done $0x0  }
0xa4: {  	s25 =	simm.s32 $0x1B8E;
	s24 =	sld [smem:$0x3FFE];
	[sflag:s23] =	ssyncadd.s32 $0xFFFFFFFF  }
0xa5: {  	s26 =	simm.s32 $execute0_lowered;
	[smem:$0x3FD2] =	sst s25  }
0xa6: {  	s5 =	sshll.u32 s26, $0x1;
	_ =	strace $0x80000046;
	[dreg:$0x1] =	wrdreg $0xFFFFFFFF  }
0xa7: {  	s28 =	simm.s32 $_size_execute0_lowered;
	s3 =	sadd.s32 s3, s5;
	[dreg:$0x0] =	wrdreg $0x0  }
0xa8: {  	s5 =	sshll.u32 s28, $0x1;
	[dreg:$0x2] =	wrdreg s3  }
0xa9: {  	[dreg:$0x3] =	wrdreg s5  }
0xaa: {  	[dreg:$0x4] =	wrdreg $0xC0  }
0xab: {  	_ =	task [dreg:s7], $0x5FFFF  }
0xac: {  	[dreg:$0x1] =	wrdreg $0xFFFFFFFF  }
0xad: {  	[dreg:$0x0] =	wrdreg $0x60  }
0xae: {  	[dreg:$0x2] =	wrdreg s24  }
0xaf: {  	[dreg:$0x3] =	wrdreg s2  }
0xb0: {  	[dreg:$0x4] =	wrdreg $0x2D500  }
0xb1: {  	[dreg:$0x5] =	wrdreg $0x16D500  }
0xb2: {  	[dreg:$0x6] =	wrdreg $0x9  }
0xb3: {  	_ =	task.clear_ibuf [dreg:s7], $0x7FFFF;
	_ =	strace $0x90000046  }
0xb4: {  	s29 =	simm.s32 $0x9;
	_ =	strace $0x80000048  }
0xb5: {  	_ =	swait.ge [sflag:s29], $0x1  }
0xb6: {  	[sflag:s29] =	ssyncadd.s32 $0xFFFFFFFF  }
0xb7: {  	_ =	strace $0x90000048  }
0xb8: {  	_ =	sfence  }
0xb9: {  	s30 =	sld [smem:$0x0];
	_ =	sdelay $0x2  }
0xba: {  	s31 =	sshll.u32 s1, $0xD;
	s1 =	sshrl.u32 s1, $0x2  }
0xbb: {  	s3 =	sand.u32 $0x4000, s31;
	s1 =	sadd.s32 s1, s30  }
0xbc: {  	s0 =	sor.u32 s3, s0;
	s1 =	sshll.u32 s1, $0x11  }
0xbd: {  	s0 =	sor.u32 s1, s0  }
0xbe: {  	s0 =	sadd.s32 $0x8F2B, s0  }
0xbf: {  	[sflag:s0] =	ssyncadd.remote.s32 $0x1  }
0xc0: {  	_ =	sfence.sel $0xFFFF  }
0xc1: {  	[dreg:$0x0] =	wrdreg $0xFFFFFFFF;
	(pc) =	sbr.abs _section_cstart, $3  }
0xc2: {  	[dreg:$0x1] =	wrdreg $0xFFFFFFFF  }
0xc3: {  	_ =	task.clear_ibuf [dreg:s7], $0x2FFFF;
	_ =	strace $0x9FFFFFFF  }
0xc4: {  	(tm) =	ssettm $0x7FFFFFFF  }
0xc5: {  	_ =	shalt  }
tec
execute0_lowered:
.L_overlay_start_1:
0x0: {  	(tag) =	ssettag $0x1  }
0x1: {  	s7 =	rddreg [dreg:$0x0]  }
0x2: {  	s0 =	rddreg [dreg:$0x1];
	s1 =	srdreg.scid  }
0x3: {  	s3 =	rddreg [dreg:$0x2];
	s21 =	sand.u32 $0x1, s1  }
0x4: {  	s1 =	stileid.u32;
	s6 =	smul.u32 $0x226000, s21  }
0x5: {  	s4 =	rddreg [dreg:$0x3];
	s8 =	smul.u32 $0x9C40, s1  }
0x6: {  	s5 =	simm.s32 $0x0;
	s19 =	simm.s32 $0x1;
	s9 =	smul.u32 $0x14000, s1  }
0x7: {  	s22 =	simm.s32 $0x2850;
	[smem:$0x7FF] =	sst s5;
	s10 =	smul.u32 $0x2800, s1  }
0x8: {  	s23 =	simm.s32 $0x0;
	_ =	strace $0x80000047;
	s11 =	smul.u32 $0x280, s1  }
0x9: {  	s12 =	smul.u32 $0x2800, s21;
	s15 =	ssub.s32 $0x2, s21;
	s30 =	sshll.u32 s1, $0x6  }
0xa: {  	s31 =	smul.u32 $0x9C4, s1;
	p0 =	seq.s32 s21, $0x0;
	p1 =	sne.s32 s21, $0x0  }
0xb: {  	s29 =	sshrl.u32 s15, $0x1;
	s14 =	sadd.s32 s6, s7;
	s25 =	sshrl.u32 s9, $0x3  }
0xc: {  	s16 =	sadd.s32 s8, s7;
	s28 =	sshrl.u32 s10, $0x3;
	s6 =	sadd.s32 $0x5AC400, s7  }
0xd: {  	s11 =	sadd.s32 s11, s12;
	s15 =	ssub.s32 s15, s29;
	s18 =	sadd.s32 s9, s3  }
0xe: {  	s8 =	sor.u32 $0x1C01, s30;
	s20 =	sadd.s32 s10, s4;
	s10 =	smul.u32 $0x22600, s21  }
0xf: {  	s21 =	simm.s32 $0x50;
	s26 =	sadd.s32 s25, s7;
	s13 =	sadd.s32 s28, s7  }
0x10: {  	s12 =	sshll.u32 s11, $0x4;
	s11 =	sshll.u32 s11, $0x1;
	s14 =	sadd.s32 $0x1000, s14  }
0x11: {  	s16 =	sadd.s32 $0x4E3000, s16;
	s18 =	sshrl.u32 s18, $0x3;
	s20 =	sshrl.u32 s20, $0x3  }
0x12: {  	s12 =	sadd.s32 s12, s7;
	s17 =	sadd.s32 s11, s7;
	s7 =	sadd.s32 $0x57F400, s26  }
0x13: {  	s9 =	sadd.s32 $0x5A7400, s13;
	s13 =	smax.u32 s15, $0x1;
	s15 =	sshll.u32 s1, $0x4  }
0x14: {  	s11 =	sadd.s32 $0x5B6600, s12;
	s12 =	sadd.s32 $0x5AC600, s17;
	s17 =	sadd.s32 s31, s0  }
.LBB2_1:
0x15: {  	[spmem:s18], [sflag:s8] =	dma.local [hbm:s7], $0x2800  }
0x16: {  	_ =	swait.ge [sflag:s19], $0x2800  }
0x17: {  	[sflag:s19] =	ssyncset.done $0x0  }
0x18: {  	[sflag:s19] =	ssyncadd.s32 $0xFFFFD800  }
0x19: {  	[spmem:s20], [sflag:s8] =	dma.local [hbm:s9], $0x500  }
0x1a: {  	_ =	swait.ge [sflag:s19], $0x500  }
0x1b: {  	[sflag:s19] =	ssyncset.done $0x0  }
0x1c: {  	s24 =	simm.s32 @!p0 $0x0;
	s25 =	simm.s32 @!p0 $0x2850;
	[sflag:s19] =	ssyncadd.s32 $0xFFFFFB00  }
0x1d: {  	[tilespmem:s25], [sflag:$0x1] =	stream.linear.gather @!p0 [hbm4b:s6+s24], $0x500, $0x38;
	[tilespmem:$0x19550] =	vst v63  }
0x1e: {  	s26 =	simm.s32 @!p0 $0x1;
	s25 =	simm.s32 @!p0 $0x2BC0  }
0x1f: {  	s25 =	simm.s32 @p0 $0x2260;
	_ =	swait.ge @!p0 [sflag:s26], $0x500  }
0x20: {  	s28 =	smul.u32 s1, s25;
	[sflag:s26] =	ssyncset.done @!p0 $0x0  }
0x21: {  	s24 =	simm.s32 @!p0 $0x8C;
	[sflag:s26] =	ssyncadd.s32 @!p0 $0xFFFFFB00  }
0x22: {  	s24 =	simm.s32 @p0 $0x6E;
	s31 =	sadd.s32 s28, s10;
	[bflag:$0x0] =	sbarrier.arrive $0xFFFF  }
0x23: {  	p2 =	sle.u32 s24, $0x0;
	s26 =	sshrl.u32 s31, $0x3;
	s0 =	rddreg [dreg:$0x1]  }
0x24: {  	s29 =	simm.s32 @!p2 $0x2;
	s28 =	simm.s32 @!p2 $0x0;
	s26 =	sadd.s32 s26, s0  }
0x25: {  	[tilespmem:s28], [sflag:$0x2] =	stream.linear.gather @!p2 [hbm4b:s26+s28], $0x50, $0x38;
	[tilespmem:$0x19550] =	vst v63  }
0x26: {  	s25 =	smul.u32 s25, s15;
	_ =	swait.ge @!p2 [sflag:s29], $0x50  }
0x27: {  	[sflag:s29] =	ssyncset.done @!p2 $0x0;
	p2 =	por p2, p2  }
0x28: {  	s25 =	sadd.s32 s25, s14;
	[sflag:s29] =	ssyncadd.s32 @!p2 $0xFFFFFFB0;
	s30 =	simm.s32 @!p2 $0x50  }
0x29: {  	[tilespmem:s30], [sflag:$0x2] =	stream.linear.gather @!p2 [hbm4b:s25+s28], $0x2800, $0x38;
	[tilespmem:$0x19550] =	vst v63  }
0x2a: {  	_ =	swait.ge @!p2 [sflag:s29], $0x2800  }
0x2b: {  	[sflag:s29] =	ssyncset.done @!p2 $0x0  }
0x2c: {  	[sflag:s29] =	ssyncadd.s32 @!p2 $0xFFFFD800;
	s29 =	simm.s32 @!p2 $0x1  }
0x2d: {  	[spmem:s3] =	stream.indirect.scatter.add.f32 @!p2 [tilespmem:s30], [sflag:$0x1], $0x80, s28, s30, $0xb8;
	[tilespmem:$0x19550] =	vst v63  }
0x2e: {  	p3 =	sle.u32 s24, $0x1;
	s26 =	sadd.s32 $0xA, s26;
	_ =	swait.ge @!p2 [sflag:s29], $0x2800  }
0x2f: {  	s25 =	sadd.s32 $0x500, s25;
	s28 =	simm.s32 $0x2;
	[sflag:s29] =	ssyncset.done @!p2 $0x0  }
.LBB2_2:
0x30: {  	s30 =	simm.s32 @!p3 $0x0;
	s31 =	simm.s32 @!p3 $0x2;
	[sflag:s29] =	ssyncadd.s32 @!p2 $0xFFFFD800  }
0x31: {  	[tilespmem:s30], [sflag:$0x2] =	stream.linear.gather @!p3 [hbm4b:s26+s30], $0x50, $0x38;
	[tilespmem:$0x19550] =	vst v63  }
0x32: {  	s2 =	smov.u32 s28;
	s28 =	sadd.s32 $0x1, s28;
	_ =	swait.ge @!p3 [sflag:s31], $0x50  }
0x33: {  	p2 =	por p3, p3;
	p4 =	sne.s32 s28, $0x8C;
	[sflag:s31] =	ssyncset.done @!p3 $0x0  }
0x34: {  	s0 =	simm.s32 @!p2 $0x50;
	[sflag:s31] =	ssyncadd.s32 @!p2 $0xFFFFFFB0  }
0x35: {  	[tilespmem:s0], [sflag:$0x2] =	stream.linear.gather @!p2 [hbm4b:s25+s30], $0x2800, $0x38;
	[tilespmem:$0x19550] =	vst v63  }
0x36: {  	_ =	swait.ge @!p2 [sflag:s31], $0x2800  }
.Ltmp0:
0x37: {  	[sflag:s31] =	ssyncset.done @!p2 $0x0;
	(pc) =	sbr.rel @p4 .LBB2_2-.Ltmp0, $4  }
0x38: {  	s29 =	simm.s32 @!p2 $0x1;
	[sflag:s31] =	ssyncadd.s32 @!p2 $0xFFFFD800  }
0x39: {  	[spmem:s3] =	stream.indirect.scatter.add.f32 @!p2 [tilespmem:s0], [sflag:$0x1], $0x80, s30, s0, $0xb8;
	[tilespmem:$0x19550] =	vst v63  }
0x3a: {  	s26 =	sadd.s32 $0xA, s26;
	_ =	swait.ge @!p2 [sflag:s29], $0x2800  }
0x3b: {  	p3 =	sge.u32 s2, s24;
	s25 =	sadd.s32 $0x500, s25;
	[sflag:s29] =	ssyncset.done @!p2 $0x0  }
0x3c: {  	s0 =	simm.s32 @!p3 $0x0;
	s2 =	simm.s32 @!p3 $0x2;
	[sflag:s29] =	ssyncadd.s32 @!p2 $0xFFFFD800  }
0x3d: {  	[tilespmem:s0], [sflag:$0x2] =	stream.linear.gather @!p3 [hbm4b:s26+s0], $0x50, $0x38;
	[tilespmem:$0x19550] =	vst v63  }
0x3e: {  	_ =	swait.ge @!p3 [sflag:s2], $0x50  }
0x3f: {  	p2 =	por p3, p3;
	[sflag:s2] =	ssyncset.done @!p3 $0x0  }
0x40: {  	s24 =	simm.s32 @!p2 $0x50;
	[sflag:s2] =	ssyncadd.s32 @!p2 $0xFFFFFFB0  }
0x41: {  	[tilespmem:s24], [sflag:$0x2] =	stream.linear.gather @!p2 [hbm4b:s25+s0], $0x2800, $0x38;
	[tilespmem:$0x19550] =	vst v63  }
0x42: {  	_ =	swait.ge @!p2 [sflag:s2], $0x2800  }
0x43: {  	[sflag:s2] =	ssyncset.done @!p2 $0x0  }
0x44: {  	[sflag:s2] =	ssyncadd.s32 @!p2 $0xFFFFD800;
	s2 =	simm.s32 @!p2 $0x1  }
0x45: {  	[spmem:s3] =	stream.indirect.scatter.add.f32 @!p2 [tilespmem:s24], [sflag:$0x1], $0x80, s0, s24, $0xb8;
	[tilespmem:$0x19550] =	vst v63  }
0x46: {  	_ =	swait.ge @!p2 [sflag:s2], $0x2800  }
0x47: {  	[sflag:s2] =	ssyncset.done @!p2 $0x0  }
0x48: {  	s31 =	sadd.s32 $0x0, s17;
	[sflag:s2] =	ssyncadd.s32 @!p2 $0xFFFFD800  }
0x49: {  	[tilespmem:s5], [sflag:$0x1] =	stream.linear.gather [hbm4b:s31+s5], $0x50, $0x38;
	[tilespmem:$0x19550] =	vst v63  }
0x4a: {  	_ =	swait.ge [sflag:s19], $0x50  }
0x4b: {  	s28 =	simm.s32 @!p1 $0x2850;
	[sflag:s19] =	ssyncset.done $0x0  }
0x4c: {  	s25 =	simm.s32 @!p1 $0x0;
	s24 =	simm.s32 @!p1 $0x1;
	[sflag:s19] =	ssyncadd.s32 $0xFFFFFFB0  }
0x4d: {  	[tilespmem:s28], [sflag:$0x1] =	stream.linear.gather @!p1 [hbm4b:s16+s25], $0x500, $0x38;
	[tilespmem:$0x19550] =	vst v63  }
0x4e: {  	_ =	swait.ge @!p1 [sflag:s24], $0x500  }
0x4f: {  	[sflag:s24] =	ssyncset.done @!p1 $0x0  }
0x50: {  	[sflag:s24] =	ssyncadd.s32 @!p1 $0xFFFFFB00  }
0x51: {  	[spmem:s4] =	stream.indirect.scatter.add.f32 [tilespmem:s22], [sflag:$0x1], $0x10, s5, s21, $0xb8;
	[tilespmem:$0x19550] =	vst v63  }
0x52: {  	s29 =	simm.s32 $0xA;
	_ =	swait.ge [sflag:s19], $0x500  }
0x53: {  	s30 =	simm.s32 $0x14;
	s26 =	sadd.s32 $0xA0, s16;
	[sflag:s19] =	ssyncset.done $0x0  }
.LBB2_4:
0x54: {  	s0 =	sadd.s32 s29, s17  }
0x55: {  	[sflag:s19] =	ssyncadd.s32 $0xFFFFFB00;
	s29 =	smov.u32 s30;
	s30 =	sadd.s32 $0xA, s30  }
0x56: {  	[tilespmem:s5], [sflag:$0x1] =	stream.linear.gather [hbm4b:s0+s5], $0x50, $0x38;
	[tilespmem:$0x19550] =	vst v63  }
0x57: {  	p2 =	sne.s32 s30, $0x9C4;
	_ =	swait.ge [sflag:s19], $0x50  }
0x58: {  	[sflag:s19] =	ssyncset.done $0x0  }
0x59: {  	[sflag:s19] =	ssyncadd.s32 $0xFFFFFFB0  }
0x5a: {  	[tilespmem:s28], [sflag:$0x1] =	stream.linear.gather @!p1 [hbm4b:s26+s25], $0x500, $0x38;
	[tilespmem:$0x19550] =	vst v63  }
0x5b: {  	_ =	swait.ge @!p1 [sflag:s24], $0x500  }
.Ltmp1:
0x5c: {  	[sflag:s24] =	ssyncset.done @!p1 $0x0;
	(pc) =	sbr.rel @p2 .LBB2_4-.Ltmp1, $4  }
0x5d: {  	[sflag:s24] =	ssyncadd.s32 @!p1 $0xFFFFFB00  }
0x5e: {  	[spmem:s4] =	stream.indirect.scatter.add.f32 [tilespmem:s22], [sflag:$0x1], $0x10, s5, s21, $0xb8;
	[tilespmem:$0x19550] =	vst v63  }
0x5f: {  	_ =	swait.ge [sflag:s19], $0x500  }
0x60: {  	s26 =	sadd.s32 $0xA0, s26;
	[sflag:s19] =	ssyncset.done $0x0  }
0x61: {  	s0 =	sadd.s32 s29, s17;
	[sflag:s19] =	ssyncadd.s32 $0xFFFFFB00  }
0x62: {  	[tilespmem:s5], [sflag:$0x1] =	stream.linear.gather [hbm4b:s0+s5], $0x50, $0x38;
	[tilespmem:$0x19550] =	vst v63  }
0x63: {  	_ =	swait.ge [sflag:s19], $0x50  }
0x64: {  	s2 =	simm.s32 @!p1 $0x0;
	[sflag:s19] =	ssyncset.done $0x0  }
0x65: {  	s24 =	simm.s32 @!p1 $0x2850;
	s0 =	simm.s32 @!p1 $0x1;
	[sflag:s19] =	ssyncadd.s32 $0xFFFFFFB0  }
0x66: {  	[tilespmem:s24], [sflag:$0x1] =	stream.linear.gather @!p1 [hbm4b:s26+s2], $0x500, $0x38;
	[tilespmem:$0x19550] =	vst v63  }
0x67: {  	_ =	swait.ge @!p1 [sflag:s0], $0x500  }
0x68: {  	[sflag:s0] =	ssyncset.done @!p1 $0x0  }
0x69: {  	[sflag:s0] =	ssyncadd.s32 @!p1 $0xFFFFFB00  }
0x6a: {  	[spmem:s4] =	stream.indirect.scatter.add.f32 [tilespmem:s22], [sflag:$0x1], $0x10, s5, s21, $0xb8;
	[tilespmem:$0x19550] =	vst v63  }
0x6b: {  	_ =	swait.ge [sflag:s19], $0x500  }
0x6c: {  	[sflag:s19] =	ssyncset.done $0x0  }
0x6d: {  	[sflag:s19] =	ssyncadd.s32 $0xFFFFFB00  }
0x6e: {  	[bflag:$0x0] =	sbarrier.arrive $0xFFFF  }
0x6f: {  	[hbm:s11], [sflag:s8] =	dma.local [spmem:s18], $0x2800  }
0x70: {  	s23 =	sadd.s32 $0x1, s23;
	_ =	swait.ge [sflag:s19], $0x2800  }
0x71: {  	p2 =	sne.s32 s23, s13;
	[sflag:s19] =	ssyncset.done $0x0  }
.Ltmp2:
0x72: {  	[sflag:s19] =	ssyncadd.s32 $0xFFFFD800;
	(pc) =	sbr.rel @p2 .LBB2_1-.Ltmp2, $4  }
0x73: {  	[hbm:s12], [sflag:s8] =	dma.local [spmem:s20], $0x500  }
0x74: {  	_ =	swait.ge [sflag:s19], $0x500  }
0x75: {  	[sflag:s19] =	ssyncset.done $0x0  }
0x76: {  	[sflag:s19] =	ssyncadd.s32 $0xFFFFFB00  }
0x77: {  	_ =	sfence.sel $0x180000  }
0x78: {  	[bflag:$0x0] =	sbarrier.arrive $0xFFFF  }
0x79: {  	_ =	strace $0x90000047  }
0x7a: {  	[bflag:$0x2] =	sbarrier.arrive $0xFFFF  }
0x7b: {  	p0 =	sne.s32 s1, $0x0;
	s0 =	rddreg [dreg:$0x4]  }
0x7c: {  	s0 =	sadd.s32 @!p0 $0x100000, s0  }
0x7d: {  	[sflag:s0] =	ssyncadd.tile.s32 @!p0 $0x1;
	_ =	shalt  }
.Lfunc_end2:
_tile_overlayer_lowered:
.L_overlay_start_2:
0x7e: {  	(tag) =	ssettag $0x2  }
0x7f: {  	s0 =	rddreg [dreg:$0x0];
	s2 =	stileid.u32  }
0x80: {  	s1 =	rddreg [dreg:$0x1];
	p0 =	sne.s32 s2, $0x0  }
0x81: {  	s3 =	rddreg [dreg:$0x2];
	[bflag:$0x3] =	sbarrier.arrive $0xFFFF;
	s2 =	simm.s32 @!p0 $0x1C01  }
0x82: {  	[timem:s3], [sflag:s2] =	dma.local @!p0 [hbm:s0], s1  }
0x83: {  	s0 =	simm.s32 @!p0 $0x1  }
0x84: {  	_ =	swait.ge @!p0 [sflag:s0], s1  }
0x85: {  	s1 =	ssub.s32 @!p0 $0x0, s1;
	[sflag:s0] =	ssyncset.done @!p0 $0x0  }
0x86: {  	[sflag:s0] =	ssyncadd.s32 @!p0 s1  }
0x87: {  	[bflag:$0x3] =	sbarrier.arrive $0xFFFF  }
0x88: {  	_ =	shalt  }

</sc_bundles>
